<compile_context>
chip_gen: v7x
topology: tpu7x:2x2x1
jax: 0.10.2.dev20260603
libtpu: 0.0.44.dev20260713+nightly
codegen_flags: <defaults>
</compile_context>

<pallas_src>
import functools

import jax
import jax.numpy as jnp
from jax import lax
from jax.experimental import pallas as pl
from jax.experimental.pallas import tpu as pltpu
from jax.experimental.pallas import tpu_sc as plsc

D_EMBED = 128
NUM_CORES = 2
NUM_SUBCORES = 16
NUM_WORKERS = NUM_CORES * NUM_SUBCORES
CHUNK = 160
NBUF = 5


def _embed_body(n_chunks, table, idx_hbm, out_hbm, *refs):
    bufs = refs[1:1 + NBUF]
    sg = refs[1 + NBUF:1 + 2 * NBUF]
    ss = refs[1 + 2 * NBUF:1 + 3 * NBUF]
    idx_v = refs[0]

    wid = lax.axis_index("s") * NUM_CORES + lax.axis_index("c")
    base = wid * (n_chunks * CHUNK)
    pltpu.sync_copy(idx_hbm.at[pl.ds(base, n_chunks * CHUNK)], idx_v)

    def gather(c, buf, sem):
        return pltpu.make_async_copy(
            table.at[idx_v.at[pl.ds(c * CHUNK, CHUNK)]], buf, sem)

    def store(c, buf, sem):
        return pltpu.make_async_copy(
            buf, out_hbm.at[pl.ds(base + c * CHUNK, CHUNK)], sem)

    for b in range(NBUF - 1):
        gather(b, bufs[b], sg[b]).start()

    def body(k, carry):
        for b in range(NBUF):
            c = k * NBUF + b
            gather(c, bufs[b], sg[b]).wait()
            store(c, bufs[b], ss[b]).start()
            g = c + NBUF - 1
            bg = (b + NBUF - 1) % NBUF

            @pl.when(jnp.logical_and(g < n_chunks, c > 0))
            def _():
                store(c - 1, bufs[bg], ss[bg]).wait()

            @pl.when(g < n_chunks)
            def _():
                gather(g, bufs[bg], sg[bg]).start()

        return carry

    lax.fori_loop(0, n_chunks // NBUF, body, 0)

    for i in range(NBUF):
        c = n_chunks - NBUF + i
        store(c, bufs[c % NBUF], ss[c % NBUF]).wait()


@functools.partial(jax.jit, static_argnums=(2,))
def _embed(x_flat, w, b_total):
    n_chunks = b_total // (NUM_WORKERS * CHUNK)
    mesh = plsc.VectorSubcoreMesh(core_axis_name="c", subcore_axis_name="s")
    run = pl.kernel(
        functools.partial(_embed_body, n_chunks),
        out_type=jax.ShapeDtypeStruct((b_total, D_EMBED), jnp.float32),
        mesh=mesh,
        scratch_types=(
            [pltpu.VMEM((n_chunks * CHUNK,), jnp.int32)]
            + [pltpu.VMEM((CHUNK, D_EMBED), jnp.float32) for _ in range(NBUF)]
            + [pltpu.SemaphoreType.DMA for _ in range(2 * NBUF)]
        ),
    )
    return run(w, x_flat)


def kernel(x, W_E):
    batch, seq = x.shape
    x_flat = x.reshape(-1).astype(jnp.int32)
    out = _embed(x_flat, W_E, batch * seq)
    return out.reshape(batch, seq, D_EMBED)

# --- scband reference (transcript-rebuilt; emitter-appended) ---
"""Pipeline reference for scband-embed-76596446757497 (READ-ONLY COPY).

The authoritative reference and input builder live on the scoring server;
editing this copy changes nothing except your own understanding.
"""

import jax, jax.numpy as jnp
import numpy as np

N_VOCAB = 100000
D_EMBED = 128
BATCH = 4096
SEQ = 200

def setup_inputs(seed: int = 0) -> dict:
    key = jax.random.key(seed)
    k_idx, k_w = jax.random.split(key)
    x = jax.random.randint(k_idx, (BATCH, SEQ), 0, N_VOCAB, dtype=jnp.int64 if jax.config.jax_enable_x64 else jnp.int32)
    W_E = jax.random.normal(k_w, (N_VOCAB, D_EMBED), dtype=jnp.float32) / np.sqrt(D_EMBED)
    return {"x": x, "W_E": W_E}

def reference(x, W_E):
    # Embedding lookup: W_E[x, :]
    return jnp.take(W_E, x, axis=0)

if __name__ == "__main__":
    import jax
    _d = setup_inputs()
    print(jax.jit(kernel)(*tuple(_d.values())))

</pallas_src>

<mosaic_0001>
#map = affine_map<(d0, d1) -> (0, 0)>
#map1 = affine_map<(d0, d1) -> (0)>
module attributes {stable_mosaic.version = 14 : i64} {
  func.func @_embed_body(%arg0: i32, %arg1: i32, %arg2: memref<100000x128xf32, #tpu.memory_space<hbm>>, %arg3: memref<819200xi32, #tpu.memory_space<hbm>>, %arg4: memref<819200x128xf32, #tpu.memory_space<hbm>>, %arg5: memref<25600xi32, #tpu.memory_space<vmem>>, %arg6: memref<160x128xf32, #tpu.memory_space<vmem>>, %arg7: memref<160x128xf32, #tpu.memory_space<vmem>>, %arg8: memref<160x128xf32, #tpu.memory_space<vmem>>, %arg9: memref<160x128xf32, #tpu.memory_space<vmem>>, %arg10: memref<160x128xf32, #tpu.memory_space<vmem>>, %arg11: memref<!tpu.dma_semaphore, #tpu.memory_space<semaphore_mem>>, %arg12: memref<!tpu.dma_semaphore, #tpu.memory_space<semaphore_mem>>, %arg13: memref<!tpu.dma_semaphore, #tpu.memory_space<semaphore_mem>>, %arg14: memref<!tpu.dma_semaphore, #tpu.memory_space<semaphore_mem>>, %arg15: memref<!tpu.dma_semaphore, #tpu.memory_space<semaphore_mem>>, %arg16: memref<!tpu.dma_semaphore, #tpu.memory_space<semaphore_mem>>, %arg17: memref<!tpu.dma_semaphore, #tpu.memory_space<semaphore_mem>>, %arg18: memref<!tpu.dma_semaphore, #tpu.memory_space<semaphore_mem>>, %arg19: memref<!tpu.dma_semaphore, #tpu.memory_space<semaphore_mem>>, %arg20: memref<!tpu.dma_semaphore, #tpu.memory_space<semaphore_mem>>) attributes {dimension_semantics = [#tpu.dimension_semantics<core_parallel>, #tpu.dimension_semantics<subcore_parallel>], iteration_bounds = array<i64: 2, 16>, scalar_prefetch = 0 : i64, scratch_operands = 16 : i64, tpu.core_type = #tpu.core_type<sc_vector_subcore>, window_params = [{transform_indices = #map}, {transform_indices = #map1}, {transform_indices = #map}]} {
    %mul3A = arith.constant 2 : i32
    %mul3A_0 = arith.muli %arg1, %mul3A : i32
    %add3A = arith.addi %mul3A_0, %arg0 : i32
    %mul3A_1 = arith.constant 25600 : i32
    %mul3A_2 = arith.muli %add3A, %mul3A_1 : i32
    "tpu.region"() ({
      %run_scoped3A = tpu.sem_alloc : memref<!tpu.dma_semaphore, #tpu.memory_space<semaphore_mem>>
      %dma_start3A_56 = tpu.memref_slice %arg3[%mul3A_2] : memref<819200xi32, #tpu.memory_space<hbm>> -> memref<25600xi32, #tpu.memory_space<hbm>>
      %dma_start3A_57 = tpu.memref_slice %arg3[%mul3A_2] : memref<819200xi32, #tpu.memory_space<hbm>> -> memref<25600xi32, #tpu.memory_space<hbm>>
      tpu.enqueue_dma source(%dma_start3A_57 : memref<25600xi32, #tpu.memory_space<hbm>>) target(%arg5 : memref<25600xi32, #tpu.memory_space<vmem>>) target_semaphore(%run_scoped3A : memref<!tpu.dma_semaphore, #tpu.memory_space<semaphore_mem>>)
      %dma_wait3A_58 = tpu.memref_slice %arg3[%mul3A_2] : memref<819200xi32, #tpu.memory_space<hbm>> -> memref<25600xi32, #tpu.memory_space<hbm>>
      %dma_wait3A_59 = tpu.memref_slice %arg3[%mul3A_2] : memref<819200xi32, #tpu.memory_space<hbm>> -> memref<25600xi32, #tpu.memory_space<hbm>>
      tpu.wait_dma2 semaphore(%run_scoped3A : memref<!tpu.dma_semaphore, #tpu.memory_space<semaphore_mem>>) src(%dma_wait3A_59 : memref<25600xi32, #tpu.memory_space<hbm>>) dst(%arg5 : memref<25600xi32, #tpu.memory_space<vmem>>)
      tpu.yield
    }) : () -> ()
    %dma_start3A = arith.constant 0 : i32
    %dma_start3A_3 = tpu.memref_slice %arg5[%dma_start3A] : memref<25600xi32, #tpu.memory_space<vmem>> -> memref<160xi32, #tpu.memory_space<vmem>>
    %dma_start3A_4 = arith.constant 0 : i32
    %dma_start3A_5 = arith.constant 0 : i32
    %dma_start3A_6 = tpu.memref_slice %arg2[%dma_start3A_4, %dma_start3A_5] : memref<100000x128xf32, #tpu.memory_space<hbm>> -> memref<100000x128xf32, #tpu.memory_space<hbm>>
    tpu.enqueue_indirect_dma source(%dma_start3A_6 : memref<100000x128xf32, #tpu.memory_space<hbm>>) target(%arg6 : memref<160x128xf32, #tpu.memory_space<vmem>>) offsets(%dma_start3A_3 : memref<160xi32, #tpu.memory_space<vmem>>) semaphore(%arg11 : memref<!tpu.dma_semaphore, #tpu.memory_space<semaphore_mem>>)
    %dma_start3A_7 = arith.constant 160 : i32
    %dma_start3A_8 = tpu.memref_slice %arg5[%dma_start3A_7] : memref<25600xi32, #tpu.memory_space<vmem>> -> memref<160xi32, #tpu.memory_space<vmem>>
    %dma_start3A_9 = arith.constant 0 : i32
    %dma_start3A_10 = arith.constant 0 : i32
    %dma_start3A_11 = tpu.memref_slice %arg2[%dma_start3A_9, %dma_start3A_10] : memref<100000x128xf32, #tpu.memory_space<hbm>> -> memref<100000x128xf32, #tpu.memory_space<hbm>>
    tpu.enqueue_indirect_dma source(%dma_start3A_11 : memref<100000x128xf32, #tpu.memory_space<hbm>>) target(%arg7 : memref<160x128xf32, #tpu.memory_space<vmem>>) offsets(%dma_start3A_8 : memref<160xi32, #tpu.memory_space<vmem>>) semaphore(%arg12 : memref<!tpu.dma_semaphore, #tpu.memory_space<semaphore_mem>>)
    %dma_start3A_12 = arith.constant 320 : i32
    %dma_start3A_13 = tpu.memref_slice %arg5[%dma_start3A_12] : memref<25600xi32, #tpu.memory_space<vmem>> -> memref<160xi32, #tpu.memory_space<vmem>>
    %dma_start3A_14 = arith.constant 0 : i32
    %dma_start3A_15 = arith.constant 0 : i32
    %dma_start3A_16 = tpu.memref_slice %arg2[%dma_start3A_14, %dma_start3A_15] : memref<100000x128xf32, #tpu.memory_space<hbm>> -> memref<100000x128xf32, #tpu.memory_space<hbm>>
    tpu.enqueue_indirect_dma source(%dma_start3A_16 : memref<100000x128xf32, #tpu.memory_space<hbm>>) target(%arg8 : memref<160x128xf32, #tpu.memory_space<vmem>>) offsets(%dma_start3A_13 : memref<160xi32, #tpu.memory_space<vmem>>) semaphore(%arg13 : memref<!tpu.dma_semaphore, #tpu.memory_space<semaphore_mem>>)
    %dma_start3A_17 = arith.constant 480 : i32
    %dma_start3A_18 = tpu.memref_slice %arg5[%dma_start3A_17] : memref<25600xi32, #tpu.memory_space<vmem>> -> memref<160xi32, #tpu.memory_space<vmem>>
    %dma_start3A_19 = arith.constant 0 : i32
    %dma_start3A_20 = arith.constant 0 : i32
    %dma_start3A_21 = tpu.memref_slice %arg2[%dma_start3A_19, %dma_start3A_20] : memref<100000x128xf32, #tpu.memory_space<hbm>> -> memref<100000x128xf32, #tpu.memory_space<hbm>>
    tpu.enqueue_indirect_dma source(%dma_start3A_21 : memref<100000x128xf32, #tpu.memory_space<hbm>>) target(%arg9 : memref<160x128xf32, #tpu.memory_space<vmem>>) offsets(%dma_start3A_18 : memref<160xi32, #tpu.memory_space<vmem>>) semaphore(%arg14 : memref<!tpu.dma_semaphore, #tpu.memory_space<semaphore_mem>>)
    %scan3A = arith.constant 0 : i32
    %scan3A_22 = arith.constant 0 : i32
    %scan3A_23 = arith.constant 32 : i32
    %scan3A_24 = arith.addi %scan3A_22, %scan3A_23 : i32
    %scan3A_25 = arith.constant 1 : i32
    scf.for %scan3A_56 = %scan3A_22 to %scan3A_24 step %scan3A_25  : i32 {
      %mul3A_57 = arith.constant 5 : i32
      %mul3A_58 = arith.muli %scan3A_56, %mul3A_57 : i32
      %add3A_59 = arith.constant 0 : i32
      %add3A_60 = arith.addi %mul3A_58, %add3A_59 : i32
      %mul3A_61 = arith.constant 160 : i32
      %mul3A_62 = arith.muli %add3A_60, %mul3A_61 : i32
      %dma_wait3A_63 = tpu.memref_slice %arg5[%mul3A_62] : memref<25600xi32, #tpu.memory_space<vmem>> -> memref<160xi32, #tpu.memory_space<vmem>>
      %dma_wait3A_64 = arith.constant 0 : i32
      %dma_wait3A_65 = arith.constant 0 : i32
      %dma_wait3A_66 = tpu.memref_slice %arg2[%dma_wait3A_64, %dma_wait3A_65] : memref<100000x128xf32, #tpu.memory_space<hbm>> -> memref<100000x128xf32, #tpu.memory_space<hbm>>
      tpu.wait_indirect_dma semaphore(%arg11 : memref<!tpu.dma_semaphore, #tpu.memory_space<semaphore_mem>>) src(%dma_wait3A_66 : memref<100000x128xf32, #tpu.memory_space<hbm>>) dst(%arg6 : memref<160x128xf32, #tpu.memory_space<vmem>>)
      %mul3A_67 = arith.constant 160 : i32
      %mul3A_68 = arith.muli %add3A_60, %mul3A_67 : i32
      %add3A_69 = arith.addi %mul3A_2, %mul3A_68 : i32
      %dma_start3A_70 = arith.constant 0 : i32
      %dma_start3A_71 = tpu.memref_slice %arg4[%add3A_69, %dma_start3A_70] : memref<819200x128xf32, #tpu.memory_space<hbm>> -> memref<160x128xf32, #tpu.memory_space<hbm>>
      %dma_start3A_72 = arith.constant 0 : i32
      %dma_start3A_73 = tpu.memref_slice %arg4[%add3A_69, %dma_start3A_72] : memref<819200x128xf32, #tpu.memory_space<hbm>> -> memref<160x128xf32, #tpu.memory_space<hbm>>
      tpu.enqueue_dma source(%arg6 : memref<160x128xf32, #tpu.memory_space<vmem>>) target(%dma_start3A_73 : memref<160x128xf32, #tpu.memory_space<hbm>>) target_semaphore(%arg16 : memref<!tpu.dma_semaphore, #tpu.memory_space<semaphore_mem>>)
      %add3A_74 = arith.constant 5 : i32
      %add3A_75 = arith.addi %add3A_60, %add3A_74 : i32
      %sub3A = arith.constant 1 : i32
      %sub3A_76 = arith.subi %add3A_75, %sub3A : i32
      %lt3A = arith.constant 160 : i32
      %lt3A_77 = arith.cmpi slt, %sub3A_76, %lt3A : i32
      %gt3A = arith.constant 0 : i32
      %gt3A_78 = arith.cmpi sgt, %add3A_60, %gt3A : i32
      %and3A = arith.andi %lt3A_77, %gt3A_78 : i1
      %convert_element_type3A = arith.extui %and3A : i1 to i32
      %cond3A = arith.constant 0 : i32
      %cond3A_79 = arith.cmpi ne, %convert_element_type3A, %cond3A : i32
      scf.if %cond3A_79 {
        %sub3A_221 = arith.constant 1 : i32
        %sub3A_222 = arith.subi %add3A_60, %sub3A_221 : i32
        %mul3A_223 = arith.constant 160 : i32
        %mul3A_224 = arith.muli %sub3A_222, %mul3A_223 : i32
        %add3A_225 = arith.addi %mul3A_2, %mul3A_224 : i32
        %dma_wait3A_226 = arith.constant 0 : i32
        %dma_wait3A_227 = tpu.memref_slice %arg4[%add3A_225, %dma_wait3A_226] : memref<819200x128xf32, #tpu.memory_space<hbm>> -> memref<160x128xf32, #tpu.memory_space<hbm>>
        %dma_wait3A_228 = arith.constant 0 : i32
        %dma_wait3A_229 = tpu.memref_slice %arg4[%add3A_225, %dma_wait3A_228] : memref<819200x128xf32, #tpu.memory_space<hbm>> -> memref<160x128xf32, #tpu.memory_space<hbm>>
        tpu.wait_dma2 semaphore(%arg20 : memref<!tpu.dma_semaphore, #tpu.memory_space<semaphore_mem>>) src(%arg10 : memref<160x128xf32, #tpu.memory_space<vmem>>) dst(%dma_wait3A_229 : memref<160x128xf32, #tpu.memory_space<hbm>>)
      } else {
      }
      %lt3A_80 = arith.constant 160 : i32
      %lt3A_81 = arith.cmpi slt, %sub3A_76, %lt3A_80 : i32
      %convert_element_type3A_82 = arith.extui %lt3A_81 : i1 to i32
      %cond3A_83 = arith.constant 0 : i32
      %cond3A_84 = arith.cmpi ne, %convert_element_type3A_82, %cond3A_83 : i32
      scf.if %cond3A_84 {
        %mul3A_221 = arith.constant 160 : i32
        %mul3A_222 = arith.muli %sub3A_76, %mul3A_221 : i32
        %dma_start3A_223 = tpu.memref_slice %arg5[%mul3A_222] : memref<25600xi32, #tpu.memory_space<vmem>> -> memref<160xi32, #tpu.memory_space<vmem>>
        %dma_start3A_224 = arith.constant 0 : i32
        %dma_start3A_225 = arith.constant 0 : i32
        %dma_start3A_226 = tpu.memref_slice %arg2[%dma_start3A_224, %dma_start3A_225] : memref<100000x128xf32, #tpu.memory_space<hbm>> -> memref<100000x128xf32, #tpu.memory_space<hbm>>
        tpu.enqueue_indirect_dma source(%dma_start3A_226 : memref<100000x128xf32, #tpu.memory_space<hbm>>) target(%arg10 : memref<160x128xf32, #tpu.memory_space<vmem>>) offsets(%dma_start3A_223 : memref<160xi32, #tpu.memory_space<vmem>>) semaphore(%arg15 : memref<!tpu.dma_semaphore, #tpu.memory_space<semaphore_mem>>)
      } else {
      }
      %mul3A_85 = arith.constant 5 : i32
      %mul3A_86 = arith.muli %scan3A_56, %mul3A_85 : i32
      %add3A_87 = arith.constant 1 : i32
      %add3A_88 = arith.addi %mul3A_86, %add3A_87 : i32
      %mul3A_89 = arith.constant 160 : i32
      %mul3A_90 = arith.muli %add3A_88, %mul3A_89 : i32
      %dma_wait3A_91 = tpu.memref_slice %arg5[%mul3A_90] : memref<25600xi32, #tpu.memory_space<vmem>> -> memref<160xi32, #tpu.memory_space<vmem>>
      %dma_wait3A_92 = arith.constant 0 : i32
      %dma_wait3A_93 = arith.constant 0 : i32
      %dma_wait3A_94 = tpu.memref_slice %arg2[%dma_wait3A_92, %dma_wait3A_93] : memref<100000x128xf32, #tpu.memory_space<hbm>> -> memref<100000x128xf32, #tpu.memory_space<hbm>>
      tpu.wait_indirect_dma semaphore(%arg12 : memref<!tpu.dma_semaphore, #tpu.memory_space<semaphore_mem>>) src(%dma_wait3A_94 : memref<100000x128xf32, #tpu.memory_space<hbm>>) dst(%arg7 : memref<160x128xf32, #tpu.memory_space<vmem>>)
      %mul3A_95 = arith.constant 160 : i32
      %mul3A_96 = arith.muli %add3A_88, %mul3A_95 : i32
      %add3A_97 = arith.addi %mul3A_2, %mul3A_96 : i32
      %dma_start3A_98 = arith.constant 0 : i32
      %dma_start3A_99 = tpu.memref_slice %arg4[%add3A_97, %dma_start3A_98] : memref<819200x128xf32, #tpu.memory_space<hbm>> -> memref<160x128xf32, #tpu.memory_space<hbm>>
      %dma_start3A_100 = arith.constant 0 : i32
      %dma_start3A_101 = tpu.memref_slice %arg4[%add3A_97, %dma_start3A_100] : memref<819200x128xf32, #tpu.memory_space<hbm>> -> memref<160x128xf32, #tpu.memory_space<hbm>>
      tpu.enqueue_dma source(%arg7 : memref<160x128xf32, #tpu.memory_space<vmem>>) target(%dma_start3A_101 : memref<160x128xf32, #tpu.memory_space<hbm>>) target_semaphore(%arg17 : memref<!tpu.dma_semaphore, #tpu.memory_space<semaphore_mem>>)
      %add3A_102 = arith.constant 5 : i32
      %add3A_103 = arith.addi %add3A_88, %add3A_102 : i32
      %sub3A_104 = arith.constant 1 : i32
      %sub3A_105 = arith.subi %add3A_103, %sub3A_104 : i32
      %lt3A_106 = arith.constant 160 : i32
      %lt3A_107 = arith.cmpi slt, %sub3A_105, %lt3A_106 : i32
      %gt3A_108 = arith.constant 0 : i32
      %gt3A_109 = arith.cmpi sgt, %add3A_88, %gt3A_108 : i32
      %and3A_110 = arith.andi %lt3A_107, %gt3A_109 : i1
      %convert_element_type3A_111 = arith.extui %and3A_110 : i1 to i32
      %cond3A_112 = arith.constant 0 : i32
      %cond3A_113 = arith.cmpi ne, %convert_element_type3A_111, %cond3A_112 : i32
      scf.if %cond3A_113 {
        %sub3A_221 = arith.constant 1 : i32
        %sub3A_222 = arith.subi %add3A_88, %sub3A_221 : i32
        %mul3A_223 = arith.constant 160 : i32
        %mul3A_224 = arith.muli %sub3A_222, %mul3A_223 : i32
        %add3A_225 = arith.addi %mul3A_2, %mul3A_224 : i32
        %dma_wait3A_226 = arith.constant 0 : i32
        %dma_wait3A_227 = tpu.memref_slice %arg4[%add3A_225, %dma_wait3A_226] : memref<819200x128xf32, #tpu.memory_space<hbm>> -> memref<160x128xf32, #tpu.memory_space<hbm>>
        %dma_wait3A_228 = arith.constant 0 : i32
        %dma_wait3A_229 = tpu.memref_slice %arg4[%add3A_225, %dma_wait3A_228] : memref<819200x128xf32, #tpu.memory_space<hbm>> -> memref<160x128xf32, #tpu.memory_space<hbm>>
        tpu.wait_dma2 semaphore(%arg16 : memref<!tpu.dma_semaphore, #tpu.memory_space<semaphore_mem>>) src(%arg6 : memref<160x128xf32, #tpu.memory_space<vmem>>) dst(%dma_wait3A_229 : memref<160x128xf32, #tpu.memory_space<hbm>>)
      } else {
      }
      %lt3A_114 = arith.constant 160 : i32
      %lt3A_115 = arith.cmpi slt, %sub3A_105, %lt3A_114 : i32
      %convert_element_type3A_116 = arith.extui %lt3A_115 : i1 to i32
      %cond3A_117 = arith.constant 0 : i32
      %cond3A_118 = arith.cmpi ne, %convert_element_type3A_116, %cond3A_117 : i32
      scf.if %cond3A_118 {
        %mul3A_221 = arith.constant 160 : i32
        %mul3A_222 = arith.muli %sub3A_105, %mul3A_221 : i32
        %dma_start3A_223 = tpu.memref_slice %arg5[%mul3A_222] : memref<25600xi32, #tpu.memory_space<vmem>> -> memref<160xi32, #tpu.memory_space<vmem>>
        %dma_start3A_224 = arith.constant 0 : i32
        %dma_start3A_225 = arith.constant 0 : i32
        %dma_start3A_226 = tpu.memref_slice %arg2[%dma_start3A_224, %dma_start3A_225] : memref<100000x128xf32, #tpu.memory_space<hbm>> -> memref<100000x128xf32, #tpu.memory_space<hbm>>
        tpu.enqueue_indirect_dma source(%dma_start3A_226 : memref<100000x128xf32, #tpu.memory_space<hbm>>) target(%arg6 : memref<160x128xf32, #tpu.memory_space<vmem>>) offsets(%dma_start3A_223 : memref<160xi32, #tpu.memory_space<vmem>>) semaphore(%arg11 : memref<!tpu.dma_semaphore, #tpu.memory_space<semaphore_mem>>)
      } else {
      }
      %mul3A_119 = arith.constant 5 : i32
      %mul3A_120 = arith.muli %scan3A_56, %mul3A_119 : i32
      %add3A_121 = arith.constant 2 : i32
      %add3A_122 = arith.addi %mul3A_120, %add3A_121 : i32
      %mul3A_123 = arith.constant 160 : i32
      %mul3A_124 = arith.muli %add3A_122, %mul3A_123 : i32
      %dma_wait3A_125 = tpu.memref_slice %arg5[%mul3A_124] : memref<25600xi32, #tpu.memory_space<vmem>> -> memref<160xi32, #tpu.memory_space<vmem>>
      %dma_wait3A_126 = arith.constant 0 : i32
      %dma_wait3A_127 = arith.constant 0 : i32
      %dma_wait3A_128 = tpu.memref_slice %arg2[%dma_wait3A_126, %dma_wait3A_127] : memref<100000x128xf32, #tpu.memory_space<hbm>> -> memref<100000x128xf32, #tpu.memory_space<hbm>>
      tpu.wait_indirect_dma semaphore(%arg13 : memref<!tpu.dma_semaphore, #tpu.memory_space<semaphore_mem>>) src(%dma_wait3A_128 : memref<100000x128xf32, #tpu.memory_space<hbm>>) dst(%arg8 : memref<160x128xf32, #tpu.memory_space<vmem>>)
      %mul3A_129 = arith.constant 160 : i32
      %mul3A_130 = arith.muli %add3A_122, %mul3A_129 : i32
      %add3A_131 = arith.addi %mul3A_2, %mul3A_130 : i32
      %dma_start3A_132 = arith.constant 0 : i32
      %dma_start3A_133 = tpu.memref_slice %arg4[%add3A_131, %dma_start3A_132] : memref<819200x128xf32, #tpu.memory_space<hbm>> -> memref<160x128xf32, #tpu.memory_space<hbm>>
      %dma_start3A_134 = arith.constant 0 : i32
      %dma_start3A_135 = tpu.memref_slice %arg4[%add3A_131, %dma_start3A_134] : memref<819200x128xf32, #tpu.memory_space<hbm>> -> memref<160x128xf32, #tpu.memory_space<hbm>>
      tpu.enqueue_dma source(%arg8 : memref<160x128xf32, #tpu.memory_space<vmem>>) target(%dma_start3A_135 : memref<160x128xf32, #tpu.memory_space<hbm>>) target_semaphore(%arg18 : memref<!tpu.dma_semaphore, #tpu.memory_space<semaphore_mem>>)
      %add3A_136 = arith.constant 5 : i32
      %add3A_137 = arith.addi %add3A_122, %add3A_136 : i32
      %sub3A_138 = arith.constant 1 : i32
      %sub3A_139 = arith.subi %add3A_137, %sub3A_138 : i32
      %lt3A_140 = arith.constant 160 : i32
      %lt3A_141 = arith.cmpi slt, %sub3A_139, %lt3A_140 : i32
      %gt3A_142 = arith.constant 0 : i32
      %gt3A_143 = arith.cmpi sgt, %add3A_122, %gt3A_142 : i32
      %and3A_144 = arith.andi %lt3A_141, %gt3A_143 : i1
      %convert_element_type3A_145 = arith.extui %and3A_144 : i1 to i32
      %cond3A_146 = arith.constant 0 : i32
      %cond3A_147 = arith.cmpi ne, %convert_element_type3A_145, %cond3A_146 : i32
      scf.if %cond3A_147 {
        %sub3A_221 = arith.constant 1 : i32
        %sub3A_222 = arith.subi %add3A_122, %sub3A_221 : i32
        %mul3A_223 = arith.constant 160 : i32
        %mul3A_224 = arith.muli %sub3A_222, %mul3A_223 : i32
        %add3A_225 = arith.addi %mul3A_2, %mul3A_224 : i32
        %dma_wait3A_226 = arith.constant 0 : i32
        %dma_wait3A_227 = tpu.memref_slice %arg4[%add3A_225, %dma_wait3A_226] : memref<819200x128xf32, #tpu.memory_space<hbm>> -> memref<160x128xf32, #tpu.memory_space<hbm>>
        %dma_wait3A_228 = arith.constant 0 : i32
        %dma_wait3A_229 = tpu.memref_slice %arg4[%add3A_225, %dma_wait3A_228] : memref<819200x128xf32, #tpu.memory_space<hbm>> -> memref<160x128xf32, #tpu.memory_space<hbm>>
        tpu.wait_dma2 semaphore(%arg17 : memref<!tpu.dma_semaphore, #tpu.memory_space<semaphore_mem>>) src(%arg7 : memref<160x128xf32, #tpu.memory_space<vmem>>) dst(%dma_wait3A_229 : memref<160x128xf32, #tpu.memory_space<hbm>>)
      } else {
      }
      %lt3A_148 = arith.constant 160 : i32
      %lt3A_149 = arith.cmpi slt, %sub3A_139, %lt3A_148 : i32
      %convert_element_type3A_150 = arith.extui %lt3A_149 : i1 to i32
      %cond3A_151 = arith.constant 0 : i32
      %cond3A_152 = arith.cmpi ne, %convert_element_type3A_150, %cond3A_151 : i32
      scf.if %cond3A_152 {
        %mul3A_221 = arith.constant 160 : i32
        %mul3A_222 = arith.muli %sub3A_139, %mul3A_221 : i32
        %dma_start3A_223 = tpu.memref_slice %arg5[%mul3A_222] : memref<25600xi32, #tpu.memory_space<vmem>> -> memref<160xi32, #tpu.memory_space<vmem>>
        %dma_start3A_224 = arith.constant 0 : i32
        %dma_start3A_225 = arith.constant 0 : i32
        %dma_start3A_226 = tpu.memref_slice %arg2[%dma_start3A_224, %dma_start3A_225] : memref<100000x128xf32, #tpu.memory_space<hbm>> -> memref<100000x128xf32, #tpu.memory_space<hbm>>
        tpu.enqueue_indirect_dma source(%dma_start3A_226 : memref<100000x128xf32, #tpu.memory_space<hbm>>) target(%arg7 : memref<160x128xf32, #tpu.memory_space<vmem>>) offsets(%dma_start3A_223 : memref<160xi32, #tpu.memory_space<vmem>>) semaphore(%arg12 : memref<!tpu.dma_semaphore, #tpu.memory_space<semaphore_mem>>)
      } else {
      }
      %mul3A_153 = arith.constant 5 : i32
      %mul3A_154 = arith.muli %scan3A_56, %mul3A_153 : i32
      %add3A_155 = arith.constant 3 : i32
      %add3A_156 = arith.addi %mul3A_154, %add3A_155 : i32
      %mul3A_157 = arith.constant 160 : i32
      %mul3A_158 = arith.muli %add3A_156, %mul3A_157 : i32
      %dma_wait3A_159 = tpu.memref_slice %arg5[%mul3A_158] : memref<25600xi32, #tpu.memory_space<vmem>> -> memref<160xi32, #tpu.memory_space<vmem>>
      %dma_wait3A_160 = arith.constant 0 : i32
      %dma_wait3A_161 = arith.constant 0 : i32
      %dma_wait3A_162 = tpu.memref_slice %arg2[%dma_wait3A_160, %dma_wait3A_161] : memref<100000x128xf32, #tpu.memory_space<hbm>> -> memref<100000x128xf32, #tpu.memory_space<hbm>>
      tpu.wait_indirect_dma semaphore(%arg14 : memref<!tpu.dma_semaphore, #tpu.memory_space<semaphore_mem>>) src(%dma_wait3A_162 : memref<100000x128xf32, #tpu.memory_space<hbm>>) dst(%arg9 : memref<160x128xf32, #tpu.memory_space<vmem>>)
      %mul3A_163 = arith.constant 160 : i32
      %mul3A_164 = arith.muli %add3A_156, %mul3A_163 : i32
      %add3A_165 = arith.addi %mul3A_2, %mul3A_164 : i32
      %dma_start3A_166 = arith.constant 0 : i32
      %dma_start3A_167 = tpu.memref_slice %arg4[%add3A_165, %dma_start3A_166] : memref<819200x128xf32, #tpu.memory_space<hbm>> -> memref<160x128xf32, #tpu.memory_space<hbm>>
      %dma_start3A_168 = arith.constant 0 : i32
      %dma_start3A_169 = tpu.memref_slice %arg4[%add3A_165, %dma_start3A_168] : memref<819200x128xf32, #tpu.memory_space<hbm>> -> memref<160x128xf32, #tpu.memory_space<hbm>>
      tpu.enqueue_dma source(%arg9 : memref<160x128xf32, #tpu.memory_space<vmem>>) target(%dma_start3A_169 : memref<160x128xf32, #tpu.memory_space<hbm>>) target_semaphore(%arg19 : memref<!tpu.dma_semaphore, #tpu.memory_space<semaphore_mem>>)
      %add3A_170 = arith.constant 5 : i32
      %add3A_171 = arith.addi %add3A_156, %add3A_170 : i32
      %sub3A_172 = arith.constant 1 : i32
      %sub3A_173 = arith.subi %add3A_171, %sub3A_172 : i32
      %lt3A_174 = arith.constant 160 : i32
      %lt3A_175 = arith.cmpi slt, %sub3A_173, %lt3A_174 : i32
      %gt3A_176 = arith.constant 0 : i32
      %gt3A_177 = arith.cmpi sgt, %add3A_156, %gt3A_176 : i32
      %and3A_178 = arith.andi %lt3A_175, %gt3A_177 : i1
      %convert_element_type3A_179 = arith.extui %and3A_178 : i1 to i32
      %cond3A_180 = arith.constant 0 : i32
      %cond3A_181 = arith.cmpi ne, %convert_element_type3A_179, %cond3A_180 : i32
      scf.if %cond3A_181 {
        %sub3A_221 = arith.constant 1 : i32
        %sub3A_222 = arith.subi %add3A_156, %sub3A_221 : i32
        %mul3A_223 = arith.constant 160 : i32
        %mul3A_224 = arith.muli %sub3A_222, %mul3A_223 : i32
        %add3A_225 = arith.addi %mul3A_2, %mul3A_224 : i32
        %dma_wait3A_226 = arith.constant 0 : i32
        %dma_wait3A_227 = tpu.memref_slice %arg4[%add3A_225, %dma_wait3A_226] : memref<819200x128xf32, #tpu.memory_space<hbm>> -> memref<160x128xf32, #tpu.memory_space<hbm>>
        %dma_wait3A_228 = arith.constant 0 : i32
        %dma_wait3A_229 = tpu.memref_slice %arg4[%add3A_225, %dma_wait3A_228] : memref<819200x128xf32, #tpu.memory_space<hbm>> -> memref<160x128xf32, #tpu.memory_space<hbm>>
        tpu.wait_dma2 semaphore(%arg18 : memref<!tpu.dma_semaphore, #tpu.memory_space<semaphore_mem>>) src(%arg8 : memref<160x128xf32, #tpu.memory_space<vmem>>) dst(%dma_wait3A_229 : memref<160x128xf32, #tpu.memory_space<hbm>>)
      } else {
      }
      %lt3A_182 = arith.constant 160 : i32
      %lt3A_183 = arith.cmpi slt, %sub3A_173, %lt3A_182 : i32
      %convert_element_type3A_184 = arith.extui %lt3A_183 : i1 to i32
      %cond3A_185 = arith.constant 0 : i32
      %cond3A_186 = arith.cmpi ne, %convert_element_type3A_184, %cond3A_185 : i32
      scf.if %cond3A_186 {
        %mul3A_221 = arith.constant 160 : i32
        %mul3A_222 = arith.muli %sub3A_173, %mul3A_221 : i32
        %dma_start3A_223 = tpu.memref_slice %arg5[%mul3A_222] : memref<25600xi32, #tpu.memory_space<vmem>> -> memref<160xi32, #tpu.memory_space<vmem>>
        %dma_start3A_224 = arith.constant 0 : i32
        %dma_start3A_225 = arith.constant 0 : i32
        %dma_start3A_226 = tpu.memref_slice %arg2[%dma_start3A_224, %dma_start3A_225] : memref<100000x128xf32, #tpu.memory_space<hbm>> -> memref<100000x128xf32, #tpu.memory_space<hbm>>
        tpu.enqueue_indirect_dma source(%dma_start3A_226 : memref<100000x128xf32, #tpu.memory_space<hbm>>) target(%arg8 : memref<160x128xf32, #tpu.memory_space<vmem>>) offsets(%dma_start3A_223 : memref<160xi32, #tpu.memory_space<vmem>>) semaphore(%arg13 : memref<!tpu.dma_semaphore, #tpu.memory_space<semaphore_mem>>)
      } else {
      }
      %mul3A_187 = arith.constant 5 : i32
      %mul3A_188 = arith.muli %scan3A_56, %mul3A_187 : i32
      %add3A_189 = arith.constant 4 : i32
      %add3A_190 = arith.addi %mul3A_188, %add3A_189 : i32
      %mul3A_191 = arith.constant 160 : i32
      %mul3A_192 = arith.muli %add3A_190, %mul3A_191 : i32
      %dma_wait3A_193 = tpu.memref_slice %arg5[%mul3A_192] : memref<25600xi32, #tpu.memory_space<vmem>> -> memref<160xi32, #tpu.memory_space<vmem>>
      %dma_wait3A_194 = arith.constant 0 : i32
      %dma_wait3A_195 = arith.constant 0 : i32
      %dma_wait3A_196 = tpu.memref_slice %arg2[%dma_wait3A_194, %dma_wait3A_195] : memref<100000x128xf32, #tpu.memory_space<hbm>> -> memref<100000x128xf32, #tpu.memory_space<hbm>>
      tpu.wait_indirect_dma semaphore(%arg15 : memref<!tpu.dma_semaphore, #tpu.memory_space<semaphore_mem>>) src(%dma_wait3A_196 : memref<100000x128xf32, #tpu.memory_space<hbm>>) dst(%arg10 : memref<160x128xf32, #tpu.memory_space<vmem>>)
      %mul3A_197 = arith.constant 160 : i32
      %mul3A_198 = arith.muli %add3A_190, %mul3A_197 : i32
      %add3A_199 = arith.addi %mul3A_2, %mul3A_198 : i32
      %dma_start3A_200 = arith.constant 0 : i32
      %dma_start3A_201 = tpu.memref_slice %arg4[%add3A_199, %dma_start3A_200] : memref<819200x128xf32, #tpu.memory_space<hbm>> -> memref<160x128xf32, #tpu.memory_space<hbm>>
      %dma_start3A_202 = arith.constant 0 : i32
      %dma_start3A_203 = tpu.memref_slice %arg4[%add3A_199, %dma_start3A_202] : memref<819200x128xf32, #tpu.memory_space<hbm>> -> memref<160x128xf32, #tpu.memory_space<hbm>>
      tpu.enqueue_dma source(%arg10 : memref<160x128xf32, #tpu.memory_space<vmem>>) target(%dma_start3A_203 : memref<160x128xf32, #tpu.memory_space<hbm>>) target_semaphore(%arg20 : memref<!tpu.dma_semaphore, #tpu.memory_space<semaphore_mem>>)
      %add3A_204 = arith.constant 5 : i32
      %add3A_205 = arith.addi %add3A_190, %add3A_204 : i32
      %sub3A_206 = arith.constant 1 : i32
      %sub3A_207 = arith.subi %add3A_205, %sub3A_206 : i32
      %lt3A_208 = arith.constant 160 : i32
      %lt3A_209 = arith.cmpi slt, %sub3A_207, %lt3A_208 : i32
      %gt3A_210 = arith.constant 0 : i32
      %gt3A_211 = arith.cmpi sgt, %add3A_190, %gt3A_210 : i32
      %and3A_212 = arith.andi %lt3A_209, %gt3A_211 : i1
      %convert_element_type3A_213 = arith.extui %and3A_212 : i1 to i32
      %cond3A_214 = arith.constant 0 : i32
      %cond3A_215 = arith.cmpi ne, %convert_element_type3A_213, %cond3A_214 : i32
      scf.if %cond3A_215 {
        %sub3A_221 = arith.constant 1 : i32
        %sub3A_222 = arith.subi %add3A_190, %sub3A_221 : i32
        %mul3A_223 = arith.constant 160 : i32
        %mul3A_224 = arith.muli %sub3A_222, %mul3A_223 : i32
        %add3A_225 = arith.addi %mul3A_2, %mul3A_224 : i32
        %dma_wait3A_226 = arith.constant 0 : i32
        %dma_wait3A_227 = tpu.memref_slice %arg4[%add3A_225, %dma_wait3A_226] : memref<819200x128xf32, #tpu.memory_space<hbm>> -> memref<160x128xf32, #tpu.memory_space<hbm>>
        %dma_wait3A_228 = arith.constant 0 : i32
        %dma_wait3A_229 = tpu.memref_slice %arg4[%add3A_225, %dma_wait3A_228] : memref<819200x128xf32, #tpu.memory_space<hbm>> -> memref<160x128xf32, #tpu.memory_space<hbm>>
        tpu.wait_dma2 semaphore(%arg19 : memref<!tpu.dma_semaphore, #tpu.memory_space<semaphore_mem>>) src(%arg9 : memref<160x128xf32, #tpu.memory_space<vmem>>) dst(%dma_wait3A_229 : memref<160x128xf32, #tpu.memory_space<hbm>>)
      } else {
      }
      %lt3A_216 = arith.constant 160 : i32
      %lt3A_217 = arith.cmpi slt, %sub3A_207, %lt3A_216 : i32
      %convert_element_type3A_218 = arith.extui %lt3A_217 : i1 to i32
      %cond3A_219 = arith.constant 0 : i32
      %cond3A_220 = arith.cmpi ne, %convert_element_type3A_218, %cond3A_219 : i32
      scf.if %cond3A_220 {
        %mul3A_221 = arith.constant 160 : i32
        %mul3A_222 = arith.muli %sub3A_207, %mul3A_221 : i32
        %dma_start3A_223 = tpu.memref_slice %arg5[%mul3A_222] : memref<25600xi32, #tpu.memory_space<vmem>> -> memref<160xi32, #tpu.memory_space<vmem>>
        %dma_start3A_224 = arith.constant 0 : i32
        %dma_start3A_225 = arith.constant 0 : i32
        %dma_start3A_226 = tpu.memref_slice %arg2[%dma_start3A_224, %dma_start3A_225] : memref<100000x128xf32, #tpu.memory_space<hbm>> -> memref<100000x128xf32, #tpu.memory_space<hbm>>
        tpu.enqueue_indirect_dma source(%dma_start3A_226 : memref<100000x128xf32, #tpu.memory_space<hbm>>) target(%arg9 : memref<160x128xf32, #tpu.memory_space<vmem>>) offsets(%dma_start3A_223 : memref<160xi32, #tpu.memory_space<vmem>>) semaphore(%arg14 : memref<!tpu.dma_semaphore, #tpu.memory_space<semaphore_mem>>)
      } else {
      }
    }
    %scan3A_26 = arith.constant 32 : i32
    %add3A_27 = arith.constant 24800 : i32
    %add3A_28 = arith.addi %mul3A_2, %add3A_27 : i32
    %dma_wait3A = arith.constant 0 : i32
    %dma_wait3A_29 = tpu.memref_slice %arg4[%add3A_28, %dma_wait3A] : memref<819200x128xf32, #tpu.memory_space<hbm>> -> memref<160x128xf32, #tpu.memory_space<hbm>>
    %dma_wait3A_30 = arith.constant 0 : i32
    %dma_wait3A_31 = tpu.memref_slice %arg4[%add3A_28, %dma_wait3A_30] : memref<819200x128xf32, #tpu.memory_space<hbm>> -> memref<160x128xf32, #tpu.memory_space<hbm>>
    tpu.wait_dma2 semaphore(%arg16 : memref<!tpu.dma_semaphore, #tpu.memory_space<semaphore_mem>>) src(%arg6 : memref<160x128xf32, #tpu.memory_space<vmem>>) dst(%dma_wait3A_31 : memref<160x128xf32, #tpu.memory_space<hbm>>)
    %add3A_32 = arith.constant 24960 : i32
    %add3A_33 = arith.addi %mul3A_2, %add3A_32 : i32
    %dma_wait3A_34 = arith.constant 0 : i32
    %dma_wait3A_35 = tpu.memref_slice %arg4[%add3A_33, %dma_wait3A_34] : memref<819200x128xf32, #tpu.memory_space<hbm>> -> memref<160x128xf32, #tpu.memory_space<hbm>>
    %dma_wait3A_36 = arith.constant 0 : i32
    %dma_wait3A_37 = tpu.memref_slice %arg4[%add3A_33, %dma_wait3A_36] : memref<819200x128xf32, #tpu.memory_space<hbm>> -> memref<160x128xf32, #tpu.memory_space<hbm>>
    tpu.wait_dma2 semaphore(%arg17 : memref<!tpu.dma_semaphore, #tpu.memory_space<semaphore_mem>>) src(%arg7 : memref<160x128xf32, #tpu.memory_space<vmem>>) dst(%dma_wait3A_37 : memref<160x128xf32, #tpu.memory_space<hbm>>)
    %add3A_38 = arith.constant 25120 : i32
    %add3A_39 = arith.addi %mul3A_2, %add3A_38 : i32
    %dma_wait3A_40 = arith.constant 0 : i32
    %dma_wait3A_41 = tpu.memref_slice %arg4[%add3A_39, %dma_wait3A_40] : memref<819200x128xf32, #tpu.memory_space<hbm>> -> memref<160x128xf32, #tpu.memory_space<hbm>>
    %dma_wait3A_42 = arith.constant 0 : i32
    %dma_wait3A_43 = tpu.memref_slice %arg4[%add3A_39, %dma_wait3A_42] : memref<819200x128xf32, #tpu.memory_space<hbm>> -> memref<160x128xf32, #tpu.memory_space<hbm>>
    tpu.wait_dma2 semaphore(%arg18 : memref<!tpu.dma_semaphore, #tpu.memory_space<semaphore_mem>>) src(%arg8 : memref<160x128xf32, #tpu.memory_space<vmem>>) dst(%dma_wait3A_43 : memref<160x128xf32, #tpu.memory_space<hbm>>)
    %add3A_44 = arith.constant 25280 : i32
    %add3A_45 = arith.addi %mul3A_2, %add3A_44 : i32
    %dma_wait3A_46 = arith.constant 0 : i32
    %dma_wait3A_47 = tpu.memref_slice %arg4[%add3A_45, %dma_wait3A_46] : memref<819200x128xf32, #tpu.memory_space<hbm>> -> memref<160x128xf32, #tpu.memory_space<hbm>>
    %dma_wait3A_48 = arith.constant 0 : i32
    %dma_wait3A_49 = tpu.memref_slice %arg4[%add3A_45, %dma_wait3A_48] : memref<819200x128xf32, #tpu.memory_space<hbm>> -> memref<160x128xf32, #tpu.memory_space<hbm>>
    tpu.wait_dma2 semaphore(%arg19 : memref<!tpu.dma_semaphore, #tpu.memory_space<semaphore_mem>>) src(%arg9 : memref<160x128xf32, #tpu.memory_space<vmem>>) dst(%dma_wait3A_49 : memref<160x128xf32, #tpu.memory_space<hbm>>)
    %add3A_50 = arith.constant 25440 : i32
    %add3A_51 = arith.addi %mul3A_2, %add3A_50 : i32
    %dma_wait3A_52 = arith.constant 0 : i32
    %dma_wait3A_53 = tpu.memref_slice %arg4[%add3A_51, %dma_wait3A_52] : memref<819200x128xf32, #tpu.memory_space<hbm>> -> memref<160x128xf32, #tpu.memory_space<hbm>>
    %dma_wait3A_54 = arith.constant 0 : i32
    %dma_wait3A_55 = tpu.memref_slice %arg4[%add3A_51, %dma_wait3A_54] : memref<819200x128xf32, #tpu.memory_space<hbm>> -> memref<160x128xf32, #tpu.memory_space<hbm>>
    tpu.wait_dma2 semaphore(%arg20 : memref<!tpu.dma_semaphore, #tpu.memory_space<semaphore_mem>>) src(%arg10 : memref<160x128xf32, #tpu.memory_space<vmem>>) dst(%dma_wait3A_55 : memref<160x128xf32, #tpu.memory_space<hbm>>)
    return
  }
}

</mosaic_0001>

<sc_bundles>
// kernel: _embed.3.cloned.1.call-start
scs
__scs_entry_jumppad:
0x0: {  	(pc) =	sbr.rel $0x88, $3  }
0x1: {  	(tag) =	ssettag $0x0;
	lr =	simm.s32 $0x1  }
0x2: {  	[smem:$0x3F9F] =	sst lr;
	_ =	strace $0xD0000000  }
0x3: {  	_ = 	snop  }
0x4: {  	_ = 	snop  }
0x5: {  	_ = 	snop  }
0x6: {  	_ = 	snop  }
0x7: {  	_ = 	snop  }
__scs_overlays_trampoline_lowered:
0x8: {  	[smem:$0x3FAE] =	sst s0  }
0x9: {  	[smem:$0x3FAF] =	sst s1  }
0xa: {  	[smem:$0x3FB0] =	sst s2  }
0xb: {  	[smem:$0x3FB1] =	sst s3  }
0xc: {  	[smem:$0x3FB2] =	sst s4  }
0xd: {  	[smem:$0x3FB3] =	sst s5  }
0xe: {  	[smem:$0x3FB4] =	sst s6  }
0xf: {  	[smem:$0x3FB5] =	sst s7  }
0x10: {  	[smem:$0x3FB6] =	sst s8  }
0x11: {  	[smem:$0x3FB7] =	sst s9;
	s0 =	simm.s32 @!p0 $0x0  }
0x12: {  	s1 =	sld [smem:$0x3F9D];
	s0 =	simm.s32 @p0 $0x1  }
0x13: {  	[smem:$0x3FB8] =	sst s0;
	s0 =	simm.s32 @!p1 $0x0  }
0x14: {  	s2 =	sld [smem:$0x3F9C];
	s0 =	simm.s32 @p1 $0x1  }
0x15: {  	[smem:$0x3FB9] =	sst s0;
	s0 =	simm.s32 @!p2 $0x0  }
0x16: {  	s3 =	sld [smem:$0x3FDB];
	s0 =	simm.s32 @p2 $0x1  }
0x17: {  	s4 =	simm.s32 $0x1BF5;
	[smem:$0x3FBB] =	sst s0  }
0x18: {  	s0 =	sld [smem:$0x3F9E];
	_ =	swait.ge [sflag:s4], $0x0  }
0x19: {  	s7 =	sld [smem:$0x3F9F]  }
0x1a: {  	s8 =	sadd.s32 $0xFFFFE003, lr  }
0x1b: {  	s9 =	sadd.s32 $0xFFFFFEF7, lr;
	s5 =	simm.s32 $0xFFFFFFFF;
	p2 =	slt.u32 s8, $0xFFFFF086  }
0x1c: {  	p1 =	slt.u32 s9, $0xF7A;
	s5 =	simm.s32 @!p2 $0x0  }
0x1d: {  	s5 =	simm.s32 @p1 $0x1;
	p0 =	seq.s32 s7, s2  }
0x1e: {  	s7 =	smul.u32 @!p0 $0xF7A, s2;
	p2 =	seq.s32 @!p0 s5, $0x0  }
0x1f: {  	s9 =	smul.u32 $0xF7A, s1;
	s8 =	simm.s32 @!p0 $0x1BF5;
	p2 =	por !p2, p0  }
0x20: {  	[sflag:s8] =	ssyncset.s32 @!p0 $0xFFFFF086;
	s6 =	sadd.s32 @!p0 s3, s7;
	s7 =	simm.s32 @!p0 $0x108  }
0x21: {  	s3 =	sadd.s32 s3, s9;
	s6 =	sadd.s32 @!p0 $0x88, s6;
	s7 =	simm.s32 @p2 $0x1082  }
0x22: {  	[simem:s7], [sflag:s8] =	dma.local @!p0 [hbm:s6], $0xF7A  }
0x23: {  	s9 =	sor.u32 $0xD0000000, s2;
	s6 =	simm.s32 $0x108;
	_ =	swait.ge @!p0 [sflag:s8], $0x0  }
0x24: {  	s3 =	sadd.s32 $0x88, s3;
	s6 =	simm.s32 @!p1 $0x1082;
	[sflag:s4] =	ssyncset.s32 $0xFFFFF086  }
0x25: {  	[simem:s6], [sflag:s4] =	dma.local [hbm:s3], $0xF7A  }
0x26: {  	[smem:$0x3F9F] =	sst s1;
	(tag) =	ssettag s2;
	_ =	strace s9  }
0x27: {  	s1 =	sld [smem:$0x3FAF]  }
0x28: {  	s2 =	sld [smem:$0x3FB0]  }
0x29: {  	s4 =	sld [smem:$0x3FB2]  }
0x2a: {  	p0 =	seq.s32 s5, $0x0;
	s5 =	sld [smem:$0x3FB3]  }
0x2b: {  	s6 =	sld [smem:$0x3FB4]  }
0x2c: {  	s7 =	sld [smem:$0x3FB5]  }
0x2d: {  	s3 =	simm.s32 $0x108;
	s8 =	sld [smem:$0x3FB6]  }
0x2e: {  	s3 =	simm.s32 @!p0 $0x1082;
	s9 =	sld [smem:$0x3FB7]  }
0x2f: {  	lr =	sadd.s32 s0, s3;
	s0 =	sld [smem:$0x3FAE]  }
0x30: {  	s3 =	sld [smem:$0x3FB1]  }
0x31: {  	[smem:$0x3FBA] =	sst s10  }
0x32: {  	s10 =	sld [smem:$0x3FB8];
	_ =	sdelay $0x3  }
0x33: {  	p0 =	seq.s32 s10, $0x1;
	s10 =	sld [smem:$0x3FBA];
	_ =	sdelay $0x3  }
0x34: {  	[smem:$0x3FBA] =	sst s10  }
0x35: {  	s10 =	sld [smem:$0x3FB9];
	_ =	sdelay $0x3  }
0x36: {  	p1 =	seq.s32 s10, $0x1;
	s10 =	sld [smem:$0x3FBA];
	_ =	sdelay $0x3  }
0x37: {  	[smem:$0x3FBA] =	sst s10  }
0x38: {  	s10 =	sld [smem:$0x3FBB]  }
0x39: {  	_ = 	snop;
	(pc) =	sbr.ind lr, $3  }
0x3a: {  	_ = 	snop  }
0x3b: {  	_ = 	snop  }
0x3c: {  	p2 =	seq.s32 s10, $0x1;
	s10 =	sld [smem:$0x3FBA]  }
0x3d: {  	_ =	shalt  }
0x3e: {  	_ =	shalt  }
0x3f: {  	_ =	shalt  }
0x40: {  	_ =	shalt  }
0x41: {  	_ =	shalt  }
0x42: {  	_ =	shalt  }
0x43: {  	_ =	shalt  }
0x44: {  	_ =	shalt  }
0x45: {  	_ =	shalt  }
0x46: {  	_ =	shalt  }
0x47: {  	_ =	shalt  }
0x48: {  	_ =	shalt  }
0x49: {  	_ =	shalt  }
0x4a: {  	_ =	shalt  }
0x4b: {  	_ =	shalt  }
0x4c: {  	_ =	shalt  }
0x4d: {  	_ =	shalt  }
0x4e: {  	_ =	shalt  }
0x4f: {  	_ =	shalt  }
0x50: {  	_ =	shalt  }
0x51: {  	_ =	shalt  }
0x52: {  	_ =	shalt  }
0x53: {  	_ =	shalt  }
0x54: {  	_ =	shalt  }
0x55: {  	_ =	shalt  }
0x56: {  	_ =	shalt  }
0x57: {  	_ =	shalt  }
0x58: {  	_ =	shalt  }
0x59: {  	_ =	shalt  }
0x5a: {  	_ =	shalt  }
0x5b: {  	_ =	shalt  }
0x5c: {  	_ =	shalt  }
0x5d: {  	_ =	shalt  }
0x5e: {  	_ =	shalt  }
0x5f: {  	_ =	shalt  }
0x60: {  	_ =	shalt  }
0x61: {  	_ =	shalt  }
0x62: {  	_ =	shalt  }
0x63: {  	_ =	shalt  }
0x64: {  	_ =	shalt  }
0x65: {  	_ =	shalt  }
0x66: {  	_ =	shalt  }
0x67: {  	_ =	shalt  }
0x68: {  	_ =	shalt  }
0x69: {  	_ =	shalt  }
0x6a: {  	_ =	shalt  }
0x6b: {  	_ =	shalt  }
0x6c: {  	_ =	shalt  }
0x6d: {  	_ =	shalt  }
0x6e: {  	_ =	shalt  }
0x6f: {  	_ =	shalt  }
0x70: {  	_ =	shalt  }
0x71: {  	_ =	shalt  }
0x72: {  	_ =	shalt  }
0x73: {  	_ =	shalt  }
0x74: {  	_ =	shalt  }
0x75: {  	_ =	shalt  }
0x76: {  	_ =	shalt  }
0x77: {  	_ =	shalt  }
0x78: {  	_ =	shalt  }
0x79: {  	_ =	shalt  }
0x7a: {  	_ =	shalt  }
0x7b: {  	_ =	shalt  }
0x7c: {  	_ =	shalt  }
0x7d: {  	_ =	shalt  }
0x7e: {  	_ =	shalt  }
0x7f: {  	_ =	shalt  }
0x80: {  	_ =	shalt  }
0x81: {  	_ =	shalt  }
0x82: {  	_ =	shalt  }
0x83: {  	_ =	shalt  }
0x84: {  	_ =	shalt  }
0x85: {  	_ =	shalt  }
0x86: {  	_ =	shalt  }
0x87: {  	_ =	shalt  }
.Lfunc_end0:
.L_simem_size_0:
called_computation_lowered:
.L_overlay_start_0:
0x88: {  	s2 =	sld [smem:$0x3FD9]  }
0x89: {  	s3 =	sld [smem:$0x3FFE];
	_ =	sdelay $0x1  }
0x8a: {  	s1 =	srdreg.scid  }
0x8b: {  	s0 =	sand.u32 $0x1, s1  }
0x8c: {  	s18 =	sshll.u32 s0, $0xA;
	s2 =	sadd.s32 s3, s2  }
0x8d: {  	s2 =	sadd.s32 s2, s18  }
0x8e: {  	[smem:$0x3FC6] =	sst s2  }
0x8f: {  	_ = 	snop  }
0x90: {  	s2 =	sld [smem:$0x3FC9]  }
0x91: {  	s19 =	sld [smem:$0x3FC8]  }
0x92: {  	s4 =	sld [smem:$0x3FD0];
	(tm) =	ssettm $0x1  }
0x93: {  	s5 =	sld [smem:$0x3FFB];
	_ =	sdelay $0x3  }
0x94: {  	_ =	strace s5  }
0x95: {  	s5 =	sld [smem:$0x3FFC];
	_ =	sdelay $0x3  }
0x96: {  	_ =	strace s5  }
0x97: {  	s5 =	sld [smem:$0x3FFD];
	_ =	sdelay $0x3  }
0x98: {  	_ =	strace s5  }
0x99: {  	_ =	strace $0x8FFFFFFF  }
0x9a: {  	s20 =	sld [smem:$0x3FDB];
	_ =	sdelay $0x1  }
0x9b: {  	s6 =	simm.s32 $_scs_section_size  }
0x9c: {  	s7 =	simm.s32 $_size__tile_overlayer_lowered;
	s8 =	simm.s32 $_tile_overlayer_lowered  }
0x9d: {  	s23 =	simm.s32 $0x1BFF;
	s22 =	sshll.u32 s8, $0x1;
	s5 =	sadd.s32 s6, s20  }
0x9e: {  	s9 =	simm.s32 $0x0;
	s21 =	sshll.u32 s7, $0x1;
	s7 =	sadd.s32 s22, s5  }
0x9f: {  	[timem:s9], [sflag:s23] =	dma.local [hbm:s7], s21  }
0xa0: {  	_ =	swait.ge [sflag:s23], s21  }
0xa1: {  	s6 =	ssub.s32 $0x0, s21;
	[sflag:s23] =	ssyncset.done $0x0  }
0xa2: {  	[sflag:s23] =	ssyncadd.s32 s6;
	_ =	sdelay $0x1  }
0xa3: {  	s24 =	simm.s32 $0x1B8B  }
0xa4: {  	_ =	swait.ge [sflag:s24], $0x1  }
0xa5: {  	[sflag:s24] =	ssyncset.done $0x0  }
0xa6: {  	s25 =	simm.s32 $0x1B8E;
	[sflag:s24] =	ssyncadd.s32 $0xFFFFFFFF  }
0xa7: {  	s26 =	simm.s32 $execute0_lowered;
	[smem:$0x3FD2] =	sst s25  }
0xa8: {  	s6 =	sshll.u32 s26, $0x1;
	_ =	strace $0x80000046;
	[dreg:$0x1] =	wrdreg $0xFFFFFFFF  }
0xa9: {  	s28 =	simm.s32 $_size_execute0_lowered;
	s5 =	sadd.s32 s5, s6;
	[dreg:$0x0] =	wrdreg $0x0  }
0xaa: {  	s6 =	sshll.u32 s28, $0x1;
	[dreg:$0x2] =	wrdreg s5  }
0xab: {  	[dreg:$0x3] =	wrdreg s6  }
0xac: {  	[dreg:$0x4] =	wrdreg $0xC0  }
0xad: {  	_ =	task [dreg:s9], $0x5FFFF  }
0xae: {  	[dreg:$0x1] =	wrdreg $0xFFFFFFFF  }
0xaf: {  	[dreg:$0x0] =	wrdreg $0x60  }
0xb0: {  	[dreg:$0x2] =	wrdreg s19  }
0xb1: {  	[dreg:$0x3] =	wrdreg s2  }
0xb2: {  	[dreg:$0x4] =	wrdreg s4  }
0xb3: {  	[dreg:$0x5] =	wrdreg $0x9  }
0xb4: {  	_ =	task.clear_ibuf [dreg:s9], $0x6FFFF;
	_ =	strace $0x90000046  }
0xb5: {  	s29 =	simm.s32 $0x9;
	_ =	strace $0x80000048  }
0xb6: {  	_ =	swait.ge [sflag:s29], $0x1  }
0xb7: {  	[sflag:s29] =	ssyncadd.s32 $0xFFFFFFFF  }
0xb8: {  	_ =	strace $0x90000048  }
0xb9: {  	_ =	sfence  }
0xba: {  	s30 =	sld [smem:$0x0];
	_ =	sdelay $0x2  }
0xbb: {  	s31 =	sshll.u32 s1, $0xD;
	s1 =	sshrl.u32 s1, $0x2  }
0xbc: {  	s3 =	sand.u32 $0x4000, s31;
	s1 =	sadd.s32 s1, s30  }
0xbd: {  	s0 =	sor.u32 s3, s0;
	s1 =	sshll.u32 s1, $0x11  }
0xbe: {  	s0 =	sor.u32 s1, s0  }
0xbf: {  	s0 =	sadd.s32 $0x8F2B, s0  }
0xc0: {  	[sflag:s0] =	ssyncadd.remote.s32 $0x1  }
0xc1: {  	_ =	sfence.sel $0xFFFF  }
0xc2: {  	[dreg:$0x0] =	wrdreg $0xFFFFFFFF;
	(pc) =	sbr.abs _section_cstart, $3  }
0xc3: {  	[dreg:$0x1] =	wrdreg $0xFFFFFFFF  }
0xc4: {  	_ =	task.clear_ibuf [dreg:s9], $0x2FFFF;
	_ =	strace $0x9FFFFFFF  }
0xc5: {  	(tm) =	ssettm $0x7FFFFFFF  }
tec
execute0_lowered:
.L_overlay_start_1:
0x0: {  	(tag) =	ssettag $0x1  }
0x1: {  	s1 =	rddreg [dreg:$0x0]  }
0x2: {  	s2 =	srdreg.scid;
	s4 =	rddreg [dreg:$0x1]  }
0x3: {  	s0 =	stileid.u32;
	s6 =	rddreg [dreg:$0x2]  }
0x4: {  	s3 =	simm.s32 $0x0;
	s14 =	simm.s32 $0x1E0;
	s15 =	simm.s32 $0x15400  }
0x5: {  	s16 =	simm.s32 $0x1;
	s17 =	simm.s32 $0x1A400;
	s18 =	simm.s32 $0x2  }
0x6: {  	s19 =	simm.s32 $0x4;
	s20 =	simm.s32 $0x5;
	s21 =	simm.s32 $0x6  }
0x7: {  	s22 =	simm.s32 $0x7;
	s23 =	simm.s32 $0x8;
	s24 =	simm.s32 $0x9  }
0x8: {  	s5 =	sand.u32 $0x1, s2;
	s28 =	sshll.u32 s0, $0x1;
	s10 =	smul.u32 $0xC8000, s0  }
0x9: {  	s25 =	simm.s32 $0xA;
	s7 =	sor.u32 s5, s28;
	s12 =	smul.u32 $0x64000, s5  }
0xa: {  	s26 =	simm.s32 $0x0;
	[smem:$0x7FF] =	sst s3;
	s8 =	smul.u32 $0x6400, s7  }
0xb: {  	_ =	strace $0x80000047;
	s9 =	ssub.s32 $0x2, s5;
	s7 =	smul.u32 $0x64000, s7  }
.Ltmp0:
0xc: {  	s11 =	sshrl.u32 s9, $0x1;
	s30 =	sadd.s32 s10, s6;
	(pc) =	sbr.rel .LBB2_1-.Ltmp0, $4  }
0xd: {  	s10 =	simm.s32 $0x6400;
	s29 =	ssub.s32 s9, s11;
	s31 =	sadd.s32 s12, s30  }
0xe: {  	s9 =	simm.s32 $0xA0;
	s11 =	simm.s32 $0xB400;
	s8 =	sshrl.u32 s8, $0x3  }
0xf: {  	s5 =	smax.u32 s29, $0x1;
	s6 =	sadd.s32 s6, s7;
	s7 =	sadd.s32 $0x1400, s31  }
0x10: {  	s4 =	sadd.s32 s4, s8;
	s6 =	sadd.s32 $0x62200, s6;
	s8 =	simm.s32 $0xB  }
.LBB2_4:
0x11: {  	_ =	swait.ge [sflag:s21], $0x5000  }
0x12: {  	[sflag:s21] =	ssyncset.done $0x0  }
0x13: {  	[sflag:s21] =	ssyncadd.s32 $0xFFFFB000  }
0x14: {  	_ =	swait.ge [sflag:s22], $0x5000  }
0x15: {  	[sflag:s22] =	ssyncset.done $0x0  }
0x16: {  	[sflag:s22] =	ssyncadd.s32 $0xFFFFB000  }
0x17: {  	_ =	swait.ge [sflag:s23], $0x5000  }
0x18: {  	[sflag:s23] =	ssyncset.done $0x0  }
0x19: {  	s26 =	sadd.s32 $0x1, s26;
	[sflag:s23] =	ssyncadd.s32 $0xFFFFB000  }
0x1a: {  	p0 =	sne.s32 s26, s5;
	_ =	swait.ge [sflag:s24], $0x5000  }
.Ltmp1:
0x1b: {  	[sflag:s24] =	ssyncset.done $0x0;
	(pc) =	sbr.rel @!p0 .LBB2_5-.Ltmp1, $4  }
0x1c: {  	[sflag:s24] =	ssyncadd.s32 $0xFFFFB000  }
0x1d: {  	_ =	swait.ge [sflag:s25], $0x5000  }
0x1e: {  	[sflag:s25] =	ssyncset.done $0x0  }
0x1f: {  	[sflag:s25] =	ssyncadd.s32 $0xFFFFB000  }
.LBB2_1:
0x20: {  	[tilespmem:s3], [sflag:$0xB] =	stream.linear.gather [hbm4b:s4+s3], $0x6400, $0x38;
	[tilespmem:$0x1F400] =	vst v63  }
0x21: {  	_ =	swait.ge [sflag:s8], $0x6400  }
0x22: {  	[sflag:s8] =	ssyncset.done $0x0  }
0x23: {  	[sflag:s8] =	ssyncadd.s32 $0xFFFF9C00  }
0x24: {  	[tilespmem:s10], [sflag:$0x1] =	stream.indirect.gather [hbm4b:s1+s9], $0x80, s3, s9, $0xb8;
	[tilespmem:$0x1F400] =	vst v63  }
0x25: {  	_ = 	snop  }
0x26: {  	[tilespmem:s11], [sflag:$0x2] =	stream.indirect.gather [hbm4b:s1+s9], $0x80, s9, s9, $0xb8;
	[tilespmem:$0x1F400] =	vst v63  }
0x27: {  	s0 =	simm.s32 $0x140;
	s2 =	simm.s32 $0x10400  }
0x28: {  	[tilespmem:s2], [sflag:$0x3] =	stream.indirect.gather [hbm4b:s1+s9], $0x80, s0, s9, $0xb8;
	[tilespmem:$0x1F400] =	vst v63  }
0x29: {  	s28 =	smov.u32 s7;
	s29 =	simm.s32 $0x0  }
0x2a: {  	[tilespmem:s15], [sflag:$0x4] =	stream.indirect.gather [hbm4b:s1+s9], $0x80, s14, s9, $0xb8;
	[tilespmem:$0x1F400] =	vst v63  }
.LBB2_2:
0x2b: {  	_ =	swait.ge [sflag:s16], $0x5000  }
0x2c: {  	p0 =	seq.s32 s29, $0x0;
	[sflag:s16] =	ssyncset.done $0x0  }
0x2d: {  	s30 =	sadd.s32 $0xFFFFEC00, s28;
	s31 =	simm.s32 @!p0 $0xA;
	[sflag:s16] =	ssyncadd.s32 $0xFFFFB000  }
0x2e: {  	[hbm4b:s30+s3] =	stream.linear.scatter [tilespmem:s10], [sflag:$0x6], $0x5000, $0x38;
	[tilespmem:$0x1F400] =	vst v63  }
0x2f: {  	_ =	swait.ge @!p0 [sflag:s31], $0x5000  }
0x30: {  	s30 =	sshra.s32 s29, $0x2;
	[sflag:s31] =	ssyncset.done @!p0 $0x0  }
0x31: {  	s2 =	sadd.s32 $0x280, s30;
	[sflag:s31] =	ssyncadd.s32 @!p0 $0xFFFFB000  }
0x32: {  	[tilespmem:s17], [sflag:$0x5] =	stream.indirect.gather [hbm4b:s1+s9], $0x80, s2, s9, $0xb8;
	[tilespmem:$0x1F400] =	vst v63  }
0x33: {  	_ =	swait.ge [sflag:s18], $0x5000  }
0x34: {  	p0 =	seq.s32 s29, $0x18380;
	[sflag:s18] =	ssyncset.done $0x0  }
0x35: {  	s12 =	sadd.s32 $0xFFFFF600, s28;
	s31 =	simm.s32 @p0 $0x3;
	[sflag:s18] =	ssyncadd.s32 $0xFFFFB000  }
0x36: {  	[hbm4b:s12+s3] =	stream.linear.scatter [tilespmem:s11], [sflag:$0x7], $0x5000, $0x38;
	[tilespmem:$0x1F400] =	vst v63  }
0x37: {  	_ =	swait.ge @p0 [sflag:s31], $0x5000  }
0x38: {  	[sflag:s31] =	ssyncset.done @p0 $0x0  }
0x39: {  	s2 =	simm.s32 @p0 $0x10400;
	[sflag:s31] =	ssyncadd.s32 @p0 $0xFFFFB000;
	s31 =	simm.s32 @p0 $0x0  }
0x3a: {  	[hbm4b:s6+s31] =	stream.linear.scatter @p0 [tilespmem:s2], [sflag:$0x8], $0x5000, $0x38;
	[tilespmem:$0x1F400] =	vst v63  }
0x3b: {  	s2 =	simm.s32 @!p0 $0x6  }
0x3c: {  	_ =	swait.ge @!p0 [sflag:s2], $0x5000  }
0x3d: {  	[sflag:s2] =	ssyncset.done @!p0 $0x0  }
0x3e: {  	[sflag:s2] =	ssyncadd.s32 @!p0 $0xFFFFB000;
	s2 =	sshra.s32 @!p0 s29, $0x2  }
0x3f: {  	s0 =	simm.s32 @!p0 $0xA0;
	s12 =	simm.s32 @!p0 $0x6400;
	s31 =	sadd.s32 @!p0 $0x320, s2  }
0x40: {  	[tilespmem:s12], [sflag:$0x1] =	stream.indirect.gather @!p0 [hbm4b:s1+s0], $0x80, s31, s0, $0xb8;
	[tilespmem:$0x1F400] =	vst v63  }
0x41: {  	s12 =	simm.s32 @!p0 $0x3  }
0x42: {  	_ =	swait.ge @!p0 [sflag:s12], $0x5000  }
0x43: {  	[sflag:s12] =	ssyncset.done @!p0 $0x0  }
0x44: {  	s31 =	simm.s32 @!p0 $0x10400;
	[sflag:s12] =	ssyncadd.s32 @!p0 $0xFFFFB000;
	s12 =	simm.s32 @!p0 $0x0  }
0x45: {  	[hbm4b:s28+s12] =	stream.linear.scatter @!p0 [tilespmem:s31], [sflag:$0x8], $0x5000, $0x38;
	[tilespmem:$0x1F400] =	vst v63  }
0x46: {  	s12 =	simm.s32 @!p0 $0x7  }
0x47: {  	_ =	swait.ge @!p0 [sflag:s12], $0x5000  }
0x48: {  	[sflag:s12] =	ssyncset.done @!p0 $0x0  }
0x49: {  	s13 =	simm.s32 @!p0 $0xB400;
	[sflag:s12] =	ssyncadd.s32 @!p0 $0xFFFFB000;
	s12 =	sadd.s32 @!p0 $0x3C0, s2  }
0x4a: {  	[tilespmem:s13], [sflag:$0x2] =	stream.indirect.gather @!p0 [hbm4b:s1+s0], $0x80, s12, s0, $0xb8;
	[tilespmem:$0x1F400] =	vst v63  }
0x4b: {  	_ =	swait.ge [sflag:s19], $0x5000  }
0x4c: {  	[sflag:s19] =	ssyncset.done $0x0  }
0x4d: {  	s13 =	sadd.s32 $0xA00, s28;
	s12 =	simm.s32 @!p0 $0x8;
	[sflag:s19] =	ssyncadd.s32 $0xFFFFB000  }
0x4e: {  	[hbm4b:s13+s3] =	stream.linear.scatter [tilespmem:s15], [sflag:$0x9], $0x5000, $0x38;
	[tilespmem:$0x1F400] =	vst v63  }
0x4f: {  	_ =	swait.ge @!p0 [sflag:s12], $0x5000  }
0x50: {  	[sflag:s12] =	ssyncset.done @!p0 $0x0  }
0x51: {  	s2 =	sadd.s32 @!p0 $0x460, s2;
	[sflag:s12] =	ssyncadd.s32 @!p0 $0xFFFFB000  }
0x52: {  	[tilespmem:s31], [sflag:$0x3] =	stream.indirect.gather @!p0 [hbm4b:s1+s0], $0x80, s2, s0, $0xb8;
	[tilespmem:$0x1F400] =	vst v63  }
.Ltmp2:
0x53: {  	_ = 	snop;
	(pc) =	sbr.rel @p0 .LBB2_4-.Ltmp2, $4  }
0x54: {  	_ =	swait.ge [sflag:s20], $0x5000  }
0x55: {  	[sflag:s20] =	ssyncset.done $0x0  }
0x56: {  	s31 =	sadd.s32 $0x1400, s28;
	[sflag:s20] =	ssyncadd.s32 $0xFFFFB000  }
0x57: {  	[hbm4b:s31+s3] =	stream.linear.scatter [tilespmem:s17], [sflag:$0xA], $0x5000, $0x38;
	[tilespmem:$0x1F400] =	vst v63  }
.Ltmp3:
0x58: {  	(pc) =	sbr.rel .LBB2_2-.Ltmp3, $4  }
0x59: {  	_ =	swait.ge [sflag:s24], $0x5000  }
0x5a: {  	s0 =	sadd.s32 $0x500, s30;
	[sflag:s24] =	ssyncset.done $0x0  }
0x5b: {  	s29 =	sadd.s32 $0xC80, s29;
	s28 =	sadd.s32 $0x3200, s28;
	[sflag:s24] =	ssyncadd.s32 $0xFFFFB000  }
0x5c: {  	[tilespmem:s15], [sflag:$0x4] =	stream.indirect.gather [hbm4b:s1+s9], $0x80, s0, s9, $0xb8;
	[tilespmem:$0x1F400] =	vst v63  }
.LBB2_5:
0x5d: {  	_ =	sfence.sel $0x180000  }
0x5e: {  	[bflag:$0x0] =	sbarrier.arrive $0xFFFF  }
0x5f: {  	_ =	strace $0x90000047  }
0x60: {  	s0 =	stileid.u32;
	[bflag:$0x2] =	sbarrier.arrive $0xFFFF  }
0x61: {  	p0 =	sne.s32 s0, $0x0;
	s0 =	rddreg [dreg:$0x3]  }
0x62: {  	s0 =	sadd.s32 @!p0 $0x100000, s0  }
0x63: {  	[sflag:s0] =	ssyncadd.tile.s32 @!p0 $0x1;
	_ =	shalt  }
.Lfunc_end2:
_tile_overlayer_lowered:
.L_overlay_start_2:
0x64: {  	(tag) =	ssettag $0x2  }
0x65: {  	s0 =	rddreg [dreg:$0x0];
	s2 =	stileid.u32  }
0x66: {  	s1 =	rddreg [dreg:$0x1];
	p0 =	sne.s32 s2, $0x0  }
0x67: {  	s3 =	rddreg [dreg:$0x2];
	[bflag:$0x3] =	sbarrier.arrive $0xFFFF;
	s2 =	simm.s32 @!p0 $0x1C0B  }
0x68: {  	[timem:s3], [sflag:s2] =	dma.local @!p0 [hbm:s0], s1  }
0x69: {  	s0 =	simm.s32 @!p0 $0xB  }
0x6a: {  	_ =	swait.ge @!p0 [sflag:s0], s1  }
0x6b: {  	s1 =	ssub.s32 @!p0 $0x0, s1;
	[sflag:s0] =	ssyncset.done @!p0 $0x0  }
0x6c: {  	[sflag:s0] =	ssyncadd.s32 @!p0 s1  }
0x6d: {  	[bflag:$0x3] =	sbarrier.arrive $0xFFFF  }
0x6e: {  	_ =	shalt  }

</sc_bundles>
